<compile_context>
chip_gen: v7x
topology: tpu7x:2x2x1
jax: 0.10.2.dev20260603
libtpu: 0.0.44.dev20260713+nightly
codegen_flags: <defaults>
</compile_context>

<pallas_src>
import jax
import jax.numpy as jnp
from jax.experimental import pallas as pl

_BATCH = 16384
_IN = 79
_EMB = 256
_NQ = 3
_K = 64
_CC = 0.25
_BB = 2048


def _fused(fv_ref, encW_ref, encb_ref, g_ref, b_ref, decW_ref, decb_ref, cb_ref,
           enc_ref, q_ref, idx_ref, rec_ref, aq_ref, loss_ref):
    fv = fv_ref[...]
    h = jnp.dot(fv.astype(jnp.bfloat16), encW_ref[...].astype(jnp.bfloat16),
                preferred_element_type=jnp.float32) + encb_ref[...]
    mu = jnp.mean(h, axis=-1, keepdims=True)
    var = jnp.mean((h - mu) * (h - mu), axis=-1, keepdims=True)
    h = (h - mu) / jnp.sqrt(var + 1e-5) * g_ref[...] + b_ref[...]
    enc = 0.5 * h * (1.0 + jax.lax.erf(h * 0.7071067811865476))
    enc_ref[...] = enc

    residual = enc
    q_total = jnp.zeros_like(enc)
    loss_sum = jnp.float32(0.0)
    idx_levels = []
    r2 = jnp.sum(residual * residual, axis=-1, keepdims=True)
    for q in range(_NQ):
        cb = cb_ref[q]
        cb_hi = cb.astype(jnp.bfloat16)
        res1 = cb - cb_hi.astype(jnp.float32)
        cb_mid = res1.astype(jnp.bfloat16)
        cb_lo = (res1 - cb_mid.astype(jnp.float32)).astype(jnp.bfloat16)
        rc = jax.lax.dot_general(residual.astype(jnp.bfloat16), cb_hi,
                                 (((1,), (1,)), ((), ())),
                                 preferred_element_type=jnp.float32)
        c2 = jnp.sum(cb * cb, axis=-1)[None, :]
        d = r2 - 2.0 * rc + c2
        idx = jnp.argmin(d, axis=-1)
        onehot = (idx[:, None] == jax.lax.broadcasted_iota(jnp.int32, (1, _K), 1)
                  ).astype(jnp.bfloat16)
        qv = ((jnp.dot(onehot, cb_hi, preferred_element_type=jnp.float32)
               + jnp.dot(onehot, cb_mid, preferred_element_type=jnp.float32))
              + jnp.dot(onehot, cb_lo, preferred_element_type=jnp.float32))
        aq_ref[:, q * _EMB:(q + 1) * _EMB] = qv
        q_total = q_total + qv
        residual = residual - qv
        r2 = jnp.sum(residual * residual, axis=-1, keepdims=True)
        loss_sum = loss_sum + jnp.sum(r2)
        idx_levels.append(idx)
    q_ref[...] = q_total
    rec_ref[...] = (jnp.dot(q_total.astype(jnp.bfloat16), decW_ref[...].astype(jnp.bfloat16),
                            preferred_element_type=jnp.float32)
                    + decb_ref[...])

    col = jax.lax.broadcasted_iota(jnp.int32, (_BB, _NQ), 1)
    i0 = idx_levels[0][:, None]
    i1 = idx_levels[1][:, None]
    i2 = idx_levels[2][:, None]
    idx_ref[...] = jnp.where(col == 0, i0, jnp.where(col == 1, i1, i2))

    @pl.when(pl.program_id(0) == 0)
    def _init():
        loss_ref[...] = jnp.zeros_like(loss_ref)

    loss_ref[...] = loss_ref[...] + loss_sum.reshape(1, 1)


def _run(fv, encW, encb, g, b, decW, decb, cb, interpret=False):
    nblk = _BATCH // _BB
    row = lambda i: (i, 0)
    fixed = lambda i: (0, 0)
    return pl.pallas_call(
        _fused,
        grid=(nblk,),
        in_specs=[
            pl.BlockSpec((_BB, _IN), row),
            pl.BlockSpec((_IN, _EMB), fixed),
            pl.BlockSpec((1, _EMB), fixed),
            pl.BlockSpec((1, _EMB), fixed),
            pl.BlockSpec((1, _EMB), fixed),
            pl.BlockSpec((_EMB, _IN), fixed),
            pl.BlockSpec((1, _IN), fixed),
            pl.BlockSpec((_NQ, _K, _EMB), lambda i: (0, 0, 0)),
        ],
        out_specs=[
            pl.BlockSpec((_BB, _EMB), row),
            pl.BlockSpec((_BB, _EMB), row),
            pl.BlockSpec((_BB, _NQ), row),
            pl.BlockSpec((_BB, _IN), row),
            pl.BlockSpec((_BB, _NQ * _EMB), row),
            pl.BlockSpec((1, 1), fixed),
        ],
        out_shape=[
            jax.ShapeDtypeStruct((_BATCH, _EMB), jnp.float32),
            jax.ShapeDtypeStruct((_BATCH, _EMB), jnp.float32),
            jax.ShapeDtypeStruct((_BATCH, _NQ), jnp.int32),
            jax.ShapeDtypeStruct((_BATCH, _IN), jnp.float32),
            jax.ShapeDtypeStruct((_BATCH, _NQ * _EMB), jnp.float32),
            jax.ShapeDtypeStruct((1, 1), jnp.float32),
        ],
        interpret=interpret,
    )(fv, encW, encb, g, b, decW, decb, cb)


def kernel(feature_vector, params):
    p = params
    enc, qt, idx, rec, aq2d, loss_sum = _run(
        feature_vector,
        p['enc_W'],
        p['enc_b'].reshape(1, _EMB),
        p['enc_ln_g'].reshape(1, _EMB),
        p['enc_ln_b'].reshape(1, _EMB),
        p['dec_W'],
        p['dec_b'].reshape(1, _IN),
        p['codebooks'],
    )
    loss = loss_sum[0, 0] * (_CC / (_BATCH * _EMB))
    all_q = aq2d.reshape(_BATCH, _NQ, _EMB)
    return (feature_vector, enc, qt, idx, rec, loss, all_q)

# --- scband reference (transcript-rebuilt; emitter-appended) ---
"""Pipeline reference for scband-semantic-idmodel-36223754175034 (READ-ONLY COPY).

The authoritative reference and input builder live on the scoring server;
editing this copy changes nothing except your own understanding.
"""

import jax, jax.numpy as jnp
import numpy as np

BATCH = 16384
INPUT_DIM = 79
EMB = 256
NQ = 3
K = 64
CC = 0.25


def setup_inputs(seed: int = 0) -> dict:
    key = jax.random.key(seed)
    ks = jax.random.split(key, 8)
    feature_vector = jax.random.normal(ks[0], (BATCH, INPUT_DIM), dtype=jnp.float32)
    params = {
        'enc_W': jax.random.normal(ks[1], (INPUT_DIM, EMB), dtype=jnp.float32) / np.sqrt(INPUT_DIM),
        'enc_b': jnp.zeros((EMB,), dtype=jnp.float32),
        'enc_ln_g': jnp.ones((EMB,), dtype=jnp.float32),
        'enc_ln_b': jnp.zeros((EMB,), dtype=jnp.float32),
        'dec_W': jax.random.normal(ks[2], (EMB, INPUT_DIM), dtype=jnp.float32) / np.sqrt(EMB),
        'dec_b': jnp.zeros((INPUT_DIM,), dtype=jnp.float32),
        'codebooks': jax.random.normal(ks[3], (NQ, K, EMB), dtype=jnp.float32),
    }
    return {'feature_vector': feature_vector, 'params': params}


def _layernorm(x, g, b, eps=1e-5):
    mu = jnp.mean(x, axis=-1, keepdims=True)
    var = jnp.var(x, axis=-1, keepdims=True)
    return (x - mu) / jnp.sqrt(var + eps) * g + b


def _encode(fv, p):
    h = fv @ p['enc_W'] + p['enc_b']
    h = _layernorm(h, p['enc_ln_g'], p['enc_ln_b'])
    return jax.nn.gelu(h, approximate=False)


def _residual_quantize(encoded, codebooks):
    residual = encoded
    q_total = jnp.zeros_like(encoded)
    idx_list, all_q = [], []
    loss = jnp.float32(0.0)
    for q in range(NQ):
        cb = codebooks[q]  # [K, EMB]
        d = (jnp.sum(residual ** 2, axis=-1, keepdims=True)
             - 2.0 * (residual @ cb.T)
             + jnp.sum(cb ** 2, axis=-1)[None, :])
        idx = jnp.argmin(d, axis=-1)  # [B]
        qv = jnp.take(cb, idx, axis=0)  # gather codewords
        # commitment loss only (use_ema=True -> codebook updated via EMA)
        loss = loss + CC * jnp.mean((residual - jax.lax.stop_gradient(qv)) ** 2)
        # per-level straight-through quantized vector
        all_q.append(residual + jax.lax.stop_gradient(qv - residual))
        q_total = q_total + qv
        residual = residual - jax.lax.stop_gradient(qv)
        idx_list.append(idx)
    quantized = encoded + jax.lax.stop_gradient(q_total - encoded)
    indices = jnp.stack(idx_list, axis=1)  # [B, NQ]
    all_quantized = jnp.stack(all_q, axis=1)  # [B, NQ, EMB]
    return quantized, indices, loss, all_quantized


def reference(feature_vector, params):
    encoded = _encode(feature_vector, params)
    quantized, indices, quant_loss, all_quantized = _residual_quantize(encoded, params['codebooks'])
    reconstructed = quantized @ params['dec_W'] + params['dec_b']
    return (feature_vector, encoded, quantized, indices, reconstructed, quant_loss, all_quantized)

if __name__ == "__main__":
    import jax
    _d = setup_inputs()
    print(jax.jit(kernel)(*tuple(_d.values())))

</pallas_src>

<mosaic_0001>
module attributes {stable_mosaic.version = 14 : i64} {
  func.func @_fused(%arg0: i32, %arg1: memref<2048x79xf32, #tpu.memory_space<vmem>>, %arg2: memref<79x256xf32, #tpu.memory_space<vmem>>, %arg3: memref<1x256xf32, #tpu.memory_space<vmem>>, %arg4: memref<1x256xf32, #tpu.memory_space<vmem>>, %arg5: memref<1x256xf32, #tpu.memory_space<vmem>>, %arg6: memref<256x79xf32, #tpu.memory_space<vmem>>, %arg7: memref<1x79xf32, #tpu.memory_space<vmem>>, %arg8: memref<3x64x256xf32, #tpu.memory_space<vmem>>, %arg9: memref<2048x256xf32, #tpu.memory_space<vmem>>, %arg10: memref<2048x256xf32, #tpu.memory_space<vmem>>, %arg11: memref<2048x3xi32, #tpu.memory_space<vmem>>, %arg12: memref<2048x79xf32, #tpu.memory_space<vmem>>, %arg13: memref<2048x768xf32, #tpu.memory_space<vmem>>, %arg14: memref<1x1xf32, #tpu.memory_space<vmem>>) attributes {dimension_semantics = [#tpu.dimension_semantics<arbitrary>], iteration_bounds = array<i64: 8>, scalar_prefetch = 0 : i64, scratch_operands = 0 : i64, tpu.core_type = #tpu.core_type<tc>, window_params = [{transform_indices = @transform_0, window_bounds = array<i64: 2048, 79>}, {pipeline_mode = #tpu.pipeline_mode<synchronous>, transform_indices = @transform_1, window_bounds = array<i64: 79, 256>}, {pipeline_mode = #tpu.pipeline_mode<synchronous>, transform_indices = @transform_2, window_bounds = array<i64: 1, 256>}, {pipeline_mode = #tpu.pipeline_mode<synchronous>, transform_indices = @transform_3, window_bounds = array<i64: 1, 256>}, {pipeline_mode = #tpu.pipeline_mode<synchronous>, transform_indices = @transform_4, window_bounds = array<i64: 1, 256>}, {pipeline_mode = #tpu.pipeline_mode<synchronous>, transform_indices = @transform_5, window_bounds = array<i64: 256, 79>}, {pipeline_mode = #tpu.pipeline_mode<synchronous>, transform_indices = @transform_6, window_bounds = array<i64: 1, 79>}, {pipeline_mode = #tpu.pipeline_mode<synchronous>, transform_indices = @transform_7, window_bounds = array<i64: 3, 64, 256>}, {transform_indices = @transform_8, window_bounds = array<i64: 2048, 256>}, {transform_indices = @transform_9, window_bounds = array<i64: 2048, 256>}, {transform_indices = @transform_10, window_bounds = array<i64: 2048, 3>}, {transform_indices = @transform_11, window_bounds = array<i64: 2048, 79>}, {transform_indices = @transform_12, window_bounds = array<i64: 2048, 768>}, {pipeline_mode = #tpu.pipeline_mode<synchronous>, transform_indices = @transform_13, window_bounds = array<i64: 1, 1>}]} {
    %get3A = arith.constant 0 : index
    %get3A_0 = arith.constant 0 : index
    %get3A_1 = vector.load %arg1[%get3A, %get3A_0] : memref<2048x79xf32, #tpu.memory_space<vmem>>, vector<2048x79xf32>
    %convert_element_type3A = arith.truncf %get3A_1 : vector<2048x79xf32> to vector<2048x79xbf16>
    %get3A_2 = arith.constant 0 : index
    %get3A_3 = arith.constant 0 : index
    %get3A_4 = vector.load %arg2[%get3A_2, %get3A_3] : memref<79x256xf32, #tpu.memory_space<vmem>>, vector<79x256xf32>
    %convert_element_type3A_5 = arith.truncf %get3A_4 : vector<79x256xf32> to vector<79x256xbf16>
    %dot_general3A = arith.constant dense<0.000000e+00> : vector<2048x256xf32>
    %dot_general3A_6 = tpu.matmul %convert_element_type3A, %convert_element_type3A_5, %dot_general3A {dimension_numbers = #tpu.dot_dimension_numbers<[1], [0], [0], [1], [0, 0, 1, 1], [], []>, transpose_lhs_hint = false} : vector<2048x79xbf16>, vector<79x256xbf16>, vector<2048x256xf32> -> vector<2048x256xf32>
    %get3A_7 = arith.constant 0 : index
    %get3A_8 = arith.constant 0 : index
    %get3A_9 = vector.load %arg3[%get3A_7, %get3A_8] : memref<1x256xf32, #tpu.memory_space<vmem>>, vector<1x256xf32>
    %add3A = vector.broadcast %get3A_9 : vector<1x256xf32> to vector<2048x256xf32>
    %add3A_10 = arith.addf %dot_general3A_6, %add3A : vector<2048x256xf32>
    %reduce_sum3A = arith.constant dense<0.000000e+00> : vector<2048xf32>
    %reduce_sum3A_11 = vector.multi_reduction <add>, %add3A_10, %reduce_sum3A [1] : vector<2048x256xf32> to vector<2048xf32>
    %broadcast_in_dim3A = vector.shape_cast %reduce_sum3A_11 : vector<2048xf32> to vector<2048x1xf32>
    %div3A = arith.constant 2.560000e+02 : f32
    %div3A_12 = vector.broadcast %div3A : f32 to vector<2048x1xf32>
    %div3A_13 = arith.divf %broadcast_in_dim3A, %div3A_12 : vector<2048x1xf32>
    %sub3A = vector.broadcast %div3A_13 : vector<2048x1xf32> to vector<2048x256xf32>
    %sub3A_14 = arith.subf %add3A_10, %sub3A : vector<2048x256xf32>
    %sub3A_15 = vector.broadcast %div3A_13 : vector<2048x1xf32> to vector<2048x256xf32>
    %sub3A_16 = arith.subf %add3A_10, %sub3A_15 : vector<2048x256xf32>
    %mul3A = arith.mulf %sub3A_14, %sub3A_16 : vector<2048x256xf32>
    %reduce_sum3A_17 = arith.constant dense<0.000000e+00> : vector<2048xf32>
    %reduce_sum3A_18 = vector.multi_reduction <add>, %mul3A, %reduce_sum3A_17 [1] : vector<2048x256xf32> to vector<2048xf32>
    %broadcast_in_dim3A_19 = vector.shape_cast %reduce_sum3A_18 : vector<2048xf32> to vector<2048x1xf32>
    %div3A_20 = arith.constant 2.560000e+02 : f32
    %div3A_21 = vector.broadcast %div3A_20 : f32 to vector<2048x1xf32>
    %div3A_22 = arith.divf %broadcast_in_dim3A_19, %div3A_21 : vector<2048x1xf32>
    %sub3A_23 = vector.broadcast %div3A_13 : vector<2048x1xf32> to vector<2048x256xf32>
    %sub3A_24 = arith.subf %add3A_10, %sub3A_23 : vector<2048x256xf32>
    %add3A_25 = arith.constant 9.99999974E-6 : f32
    %add3A_26 = vector.broadcast %add3A_25 : f32 to vector<2048x1xf32>
    %add3A_27 = arith.addf %div3A_22, %add3A_26 : vector<2048x1xf32>
    %sqrt3A = math.sqrt %add3A_27 : vector<2048x1xf32>
    %div3A_28 = vector.broadcast %sqrt3A : vector<2048x1xf32> to vector<2048x256xf32>
    %div3A_29 = arith.divf %sub3A_24, %div3A_28 : vector<2048x256xf32>
    %get3A_30 = arith.constant 0 : index
    %get3A_31 = arith.constant 0 : index
    %get3A_32 = vector.load %arg4[%get3A_30, %get3A_31] : memref<1x256xf32, #tpu.memory_space<vmem>>, vector<1x256xf32>
    %mul3A_33 = vector.broadcast %get3A_32 : vector<1x256xf32> to vector<2048x256xf32>
    %mul3A_34 = arith.mulf %div3A_29, %mul3A_33 : vector<2048x256xf32>
    %get3A_35 = arith.constant 0 : index
    %get3A_36 = arith.constant 0 : index
    %get3A_37 = vector.load %arg5[%get3A_35, %get3A_36] : memref<1x256xf32, #tpu.memory_space<vmem>>, vector<1x256xf32>
    %add3A_38 = vector.broadcast %get3A_37 : vector<1x256xf32> to vector<2048x256xf32>
    %add3A_39 = arith.addf %mul3A_34, %add3A_38 : vector<2048x256xf32>
    %mul3A_40 = arith.constant 5.000000e-01 : f32
    %mul3A_41 = vector.broadcast %mul3A_40 : f32 to vector<2048x256xf32>
    %mul3A_42 = arith.mulf %mul3A_41, %add3A_39 : vector<2048x256xf32>
    %mul3A_43 = arith.constant 0.707106769 : f32
    %mul3A_44 = vector.broadcast %mul3A_43 : f32 to vector<2048x256xf32>
    %mul3A_45 = arith.mulf %add3A_39, %mul3A_44 : vector<2048x256xf32>
    %erf3A = math.erf %mul3A_45 : vector<2048x256xf32>
    %add3A_46 = arith.constant 1.000000e+00 : f32
    %add3A_47 = vector.broadcast %add3A_46 : f32 to vector<2048x256xf32>
    %add3A_48 = arith.addf %add3A_47, %erf3A : vector<2048x256xf32>
    %mul3A_49 = arith.mulf %mul3A_42, %add3A_48 : vector<2048x256xf32>
    %swap3A = arith.constant 0 : index
    %swap3A_50 = arith.constant 0 : index
    %swap3A_51 = vector.load %arg9[%swap3A, %swap3A_50] : memref<2048x256xf32, #tpu.memory_space<vmem>>, vector<2048x256xf32>
    tpu.vector_store %arg9[%swap3A, %swap3A_50], %mul3A_49 {strides = array<i32>} : memref<2048x256xf32, #tpu.memory_space<vmem>>, vector<2048x256xf32>,
    %broadcast_in_dim3A_52 = arith.constant 0.000000e+00 : f32
    %broadcast_in_dim3A_53 = vector.broadcast %broadcast_in_dim3A_52 : f32 to vector<2048x256xf32>
    %mul3A_54 = arith.mulf %mul3A_49, %mul3A_49 : vector<2048x256xf32>
    %reduce_sum3A_55 = arith.constant dense<0.000000e+00> : vector<2048xf32>
    %reduce_sum3A_56 = vector.multi_reduction <add>, %mul3A_54, %reduce_sum3A_55 [1] : vector<2048x256xf32> to vector<2048xf32>
    %broadcast_in_dim3A_57 = vector.shape_cast %reduce_sum3A_56 : vector<2048xf32> to vector<2048x1xf32>
    %get3A_58 = arith.constant 0 : index
    %get3A_59 = arith.constant 0 : index
    %get3A_60 = arith.constant 0 : index
    %get3A_61 = vector.load %arg8[%get3A_58, %get3A_59, %get3A_60] : memref<3x64x256xf32, #tpu.memory_space<vmem>>, vector<1x64x256xf32>
    %get3A_62 = vector.shape_cast %get3A_61 : vector<1x64x256xf32> to vector<64x256xf32>
    %convert_element_type3A_63 = arith.truncf %get3A_62 : vector<64x256xf32> to vector<64x256xbf16>
    %convert_element_type3A_64 = arith.extf %convert_element_type3A_63 : vector<64x256xbf16> to vector<64x256xf32>
    %sub3A_65 = arith.subf %get3A_62, %convert_element_type3A_64 : vector<64x256xf32>
    %convert_element_type3A_66 = arith.truncf %sub3A_65 : vector<64x256xf32> to vector<64x256xbf16>
    %convert_element_type3A_67 = arith.extf %convert_element_type3A_66 : vector<64x256xbf16> to vector<64x256xf32>
    %sub3A_68 = arith.subf %sub3A_65, %convert_element_type3A_67 : vector<64x256xf32>
    %convert_element_type3A_69 = arith.truncf %sub3A_68 : vector<64x256xf32> to vector<64x256xbf16>
    %convert_element_type3A_70 = arith.truncf %mul3A_49 : vector<2048x256xf32> to vector<2048x256xbf16>
    %dot_general3A_71 = arith.constant dense<0.000000e+00> : vector<2048x64xf32>
    %dot_general3A_72 = tpu.matmul %convert_element_type3A_70, %convert_element_type3A_63, %dot_general3A_71 {dimension_numbers = #tpu.dot_dimension_numbers<[1], [1], [0], [0], [0, 0, 1, 0], [], []>, transpose_lhs_hint = false} : vector<2048x256xbf16>, vector<64x256xbf16>, vector<2048x64xf32> -> vector<2048x64xf32>
    %mul3A_73 = arith.mulf %get3A_62, %get3A_62 : vector<64x256xf32>
    %reduce_sum3A_74 = arith.constant dense<0.000000e+00> : vector<64xf32>
    %reduce_sum3A_75 = vector.multi_reduction <add>, %mul3A_73, %reduce_sum3A_74 [1] : vector<64x256xf32> to vector<64xf32>
    %broadcast_in_dim3A_76 = vector.shape_cast %reduce_sum3A_75 : vector<64xf32> to vector<1x64xf32>
    %mul3A_77 = arith.constant 2.000000e+00 : f32
    %mul3A_78 = vector.broadcast %mul3A_77 : f32 to vector<2048x64xf32>
    %mul3A_79 = arith.mulf %mul3A_78, %dot_general3A_72 : vector<2048x64xf32>
    %sub3A_80 = vector.broadcast %broadcast_in_dim3A_57 : vector<2048x1xf32> to vector<2048x64xf32>
    %sub3A_81 = arith.subf %sub3A_80, %mul3A_79 : vector<2048x64xf32>
    %add3A_82 = vector.broadcast %broadcast_in_dim3A_76 : vector<1x64xf32> to vector<2048x64xf32>
    %add3A_83 = arith.addf %sub3A_81, %add3A_82 : vector<2048x64xf32>
    %argmin3A = tpu.reduce_index %add3A_83 {axis = 1 : i32, kind = #tpu.reduction_kind<arg_min>} : vector<2048x64xf32> -> vector<2048xi32>
    %broadcast_in_dim3A_84 = vector.shape_cast %argmin3A : vector<2048xi32> to vector<2048x1xi32>
    %iota3A = tpu.iota {dimensions = array<i32: 1>} : vector<1x64xi32>
    %eq3A = vector.broadcast %broadcast_in_dim3A_84 : vector<2048x1xi32> to vector<2048x64xi32>
    %eq3A_85 = vector.broadcast %iota3A : vector<1x64xi32> to vector<2048x64xi32>
    %eq3A_86 = arith.cmpi eq, %eq3A, %eq3A_85 : vector<2048x64xi32>
    %convert_element_type3A_87 = arith.extui %eq3A_86 : vector<2048x64xi1> to vector<2048x64xi32>
    %convert_element_type3A_88 = arith.sitofp %convert_element_type3A_87 : vector<2048x64xi32> to vector<2048x64xf32>
    %convert_element_type3A_89 = arith.truncf %convert_element_type3A_88 : vector<2048x64xf32> to vector<2048x64xbf16>
    %dot_general3A_90 = arith.constant dense<0.000000e+00> : vector<2048x256xf32>
    %dot_general3A_91 = tpu.matmul %convert_element_type3A_89, %convert_element_type3A_63, %dot_general3A_90 {dimension_numbers = #tpu.dot_dimension_numbers<[1], [0], [0], [1], [0, 0, 1, 1], [], []>, transpose_lhs_hint = false} : vector<2048x64xbf16>, vector<64x256xbf16>, vector<2048x256xf32> -> vector<2048x256xf32>
    %dot_general3A_92 = arith.constant dense<0.000000e+00> : vector<2048x256xf32>
    %dot_general3A_93 = tpu.matmul %convert_element_type3A_89, %convert_element_type3A_66, %dot_general3A_92 {dimension_numbers = #tpu.dot_dimension_numbers<[1], [0], [0], [1], [0, 0, 1, 1], [], []>, transpose_lhs_hint = false} : vector<2048x64xbf16>, vector<64x256xbf16>, vector<2048x256xf32> -> vector<2048x256xf32>
    %add3A_94 = arith.addf %dot_general3A_91, %dot_general3A_93 : vector<2048x256xf32>
    %dot_general3A_95 = arith.constant dense<0.000000e+00> : vector<2048x256xf32>
    %dot_general3A_96 = tpu.matmul %convert_element_type3A_89, %convert_element_type3A_69, %dot_general3A_95 {dimension_numbers = #tpu.dot_dimension_numbers<[1], [0], [0], [1], [0, 0, 1, 1], [], []>, transpose_lhs_hint = false} : vector<2048x64xbf16>, vector<64x256xbf16>, vector<2048x256xf32> -> vector<2048x256xf32>
    %add3A_97 = arith.addf %add3A_94, %dot_general3A_96 : vector<2048x256xf32>
    %swap3A_98 = arith.constant 0 : index
    %swap3A_99 = arith.constant 0 : index
    %swap3A_100 = vector.load %arg13[%swap3A_98, %swap3A_99] : memref<2048x768xf32, #tpu.memory_space<vmem>>, vector<2048x256xf32>
    tpu.vector_store %arg13[%swap3A_98, %swap3A_99], %add3A_97 {strides = array<i32>} : memref<2048x768xf32, #tpu.memory_space<vmem>>, vector<2048x256xf32>,
    %add3A_101 = arith.addf %broadcast_in_dim3A_53, %add3A_97 : vector<2048x256xf32>
    %sub3A_102 = arith.subf %mul3A_49, %add3A_97 : vector<2048x256xf32>
    %mul3A_103 = arith.mulf %sub3A_102, %sub3A_102 : vector<2048x256xf32>
    %reduce_sum3A_104 = arith.constant dense<0.000000e+00> : vector<2048xf32>
    %reduce_sum3A_105 = vector.multi_reduction <add>, %mul3A_103, %reduce_sum3A_104 [1] : vector<2048x256xf32> to vector<2048xf32>
    %broadcast_in_dim3A_106 = vector.shape_cast %reduce_sum3A_105 : vector<2048xf32> to vector<2048x1xf32>
    %reduce_sum3A_107 = vector.shape_cast %broadcast_in_dim3A_106 : vector<2048x1xf32> to vector<1x2048x1xf32>
    %reduce_sum3A_108 = arith.constant dense<0.000000e+00> : vector<1xf32>
    %reduce_sum3A_109 = vector.multi_reduction <add>, %reduce_sum3A_107, %reduce_sum3A_108 [1, 2] : vector<1x2048x1xf32> to vector<1xf32>
    %reduce_sum3A_110 = vector.shape_cast %reduce_sum3A_109 : vector<1xf32> to vector<1x1x1xf32>
    %reduce_sum3A_111 = vector.extract %reduce_sum3A_110[0, 0, 0] : f32 from vector<1x1x1xf32>
    %add3A_112 = arith.constant 0.000000e+00 : f32
    %add3A_113 = arith.addf %add3A_112, %reduce_sum3A_111 : f32
    %get3A_114 = arith.constant 1 : index
    %get3A_115 = arith.constant 0 : index
    %get3A_116 = arith.constant 0 : index
    %get3A_117 = vector.load %arg8[%get3A_114, %get3A_115, %get3A_116] : memref<3x64x256xf32, #tpu.memory_space<vmem>>, vector<1x64x256xf32>
    %get3A_118 = vector.shape_cast %get3A_117 : vector<1x64x256xf32> to vector<64x256xf32>
    %convert_element_type3A_119 = arith.truncf %get3A_118 : vector<64x256xf32> to vector<64x256xbf16>
    %convert_element_type3A_120 = arith.extf %convert_element_type3A_119 : vector<64x256xbf16> to vector<64x256xf32>
    %sub3A_121 = arith.subf %get3A_118, %convert_element_type3A_120 : vector<64x256xf32>
    %convert_element_type3A_122 = arith.truncf %sub3A_121 : vector<64x256xf32> to vector<64x256xbf16>
    %convert_element_type3A_123 = arith.extf %convert_element_type3A_122 : vector<64x256xbf16> to vector<64x256xf32>
    %sub3A_124 = arith.subf %sub3A_121, %convert_element_type3A_123 : vector<64x256xf32>
    %convert_element_type3A_125 = arith.truncf %sub3A_124 : vector<64x256xf32> to vector<64x256xbf16>
    %convert_element_type3A_126 = arith.truncf %sub3A_102 : vector<2048x256xf32> to vector<2048x256xbf16>
    %dot_general3A_127 = arith.constant dense<0.000000e+00> : vector<2048x64xf32>
    %dot_general3A_128 = tpu.matmul %convert_element_type3A_126, %convert_element_type3A_119, %dot_general3A_127 {dimension_numbers = #tpu.dot_dimension_numbers<[1], [1], [0], [0], [0, 0, 1, 0], [], []>, transpose_lhs_hint = false} : vector<2048x256xbf16>, vector<64x256xbf16>, vector<2048x64xf32> -> vector<2048x64xf32>
    %mul3A_129 = arith.mulf %get3A_118, %get3A_118 : vector<64x256xf32>
    %reduce_sum3A_130 = arith.constant dense<0.000000e+00> : vector<64xf32>
    %reduce_sum3A_131 = vector.multi_reduction <add>, %mul3A_129, %reduce_sum3A_130 [1] : vector<64x256xf32> to vector<64xf32>
    %broadcast_in_dim3A_132 = vector.shape_cast %reduce_sum3A_131 : vector<64xf32> to vector<1x64xf32>
    %mul3A_133 = arith.constant 2.000000e+00 : f32
    %mul3A_134 = vector.broadcast %mul3A_133 : f32 to vector<2048x64xf32>
    %mul3A_135 = arith.mulf %mul3A_134, %dot_general3A_128 : vector<2048x64xf32>
    %sub3A_136 = vector.broadcast %broadcast_in_dim3A_106 : vector<2048x1xf32> to vector<2048x64xf32>
    %sub3A_137 = arith.subf %sub3A_136, %mul3A_135 : vector<2048x64xf32>
    %add3A_138 = vector.broadcast %broadcast_in_dim3A_132 : vector<1x64xf32> to vector<2048x64xf32>
    %add3A_139 = arith.addf %sub3A_137, %add3A_138 : vector<2048x64xf32>
    %argmin3A_140 = tpu.reduce_index %add3A_139 {axis = 1 : i32, kind = #tpu.reduction_kind<arg_min>} : vector<2048x64xf32> -> vector<2048xi32>
    %broadcast_in_dim3A_141 = vector.shape_cast %argmin3A_140 : vector<2048xi32> to vector<2048x1xi32>
    %iota3A_142 = tpu.iota {dimensions = array<i32: 1>} : vector<1x64xi32>
    %eq3A_143 = vector.broadcast %broadcast_in_dim3A_141 : vector<2048x1xi32> to vector<2048x64xi32>
    %eq3A_144 = vector.broadcast %iota3A_142 : vector<1x64xi32> to vector<2048x64xi32>
    %eq3A_145 = arith.cmpi eq, %eq3A_143, %eq3A_144 : vector<2048x64xi32>
    %convert_element_type3A_146 = arith.extui %eq3A_145 : vector<2048x64xi1> to vector<2048x64xi32>
    %convert_element_type3A_147 = arith.sitofp %convert_element_type3A_146 : vector<2048x64xi32> to vector<2048x64xf32>
    %convert_element_type3A_148 = arith.truncf %convert_element_type3A_147 : vector<2048x64xf32> to vector<2048x64xbf16>
    %dot_general3A_149 = arith.constant dense<0.000000e+00> : vector<2048x256xf32>
    %dot_general3A_150 = tpu.matmul %convert_element_type3A_148, %convert_element_type3A_119, %dot_general3A_149 {dimension_numbers = #tpu.dot_dimension_numbers<[1], [0], [0], [1], [0, 0, 1, 1], [], []>, transpose_lhs_hint = false} : vector<2048x64xbf16>, vector<64x256xbf16>, vector<2048x256xf32> -> vector<2048x256xf32>
    %dot_general3A_151 = arith.constant dense<0.000000e+00> : vector<2048x256xf32>
    %dot_general3A_152 = tpu.matmul %convert_element_type3A_148, %convert_element_type3A_122, %dot_general3A_151 {dimension_numbers = #tpu.dot_dimension_numbers<[1], [0], [0], [1], [0, 0, 1, 1], [], []>, transpose_lhs_hint = false} : vector<2048x64xbf16>, vector<64x256xbf16>, vector<2048x256xf32> -> vector<2048x256xf32>
    %add3A_153 = arith.addf %dot_general3A_150, %dot_general3A_152 : vector<2048x256xf32>
    %dot_general3A_154 = arith.constant dense<0.000000e+00> : vector<2048x256xf32>
    %dot_general3A_155 = tpu.matmul %convert_element_type3A_148, %convert_element_type3A_125, %dot_general3A_154 {dimension_numbers = #tpu.dot_dimension_numbers<[1], [0], [0], [1], [0, 0, 1, 1], [], []>, transpose_lhs_hint = false} : vector<2048x64xbf16>, vector<64x256xbf16>, vector<2048x256xf32> -> vector<2048x256xf32>
    %add3A_156 = arith.addf %add3A_153, %dot_general3A_155 : vector<2048x256xf32>
    %swap3A_157 = arith.constant 0 : index
    %swap3A_158 = arith.constant 256 : index
    %swap3A_159 = vector.load %arg13[%swap3A_157, %swap3A_158] : memref<2048x768xf32, #tpu.memory_space<vmem>>, vector<2048x256xf32>
    tpu.vector_store %arg13[%swap3A_157, %swap3A_158], %add3A_156 {strides = array<i32>} : memref<2048x768xf32, #tpu.memory_space<vmem>>, vector<2048x256xf32>,
    %add3A_160 = arith.addf %add3A_101, %add3A_156 : vector<2048x256xf32>
    %sub3A_161 = arith.subf %sub3A_102, %add3A_156 : vector<2048x256xf32>
    %mul3A_162 = arith.mulf %sub3A_161, %sub3A_161 : vector<2048x256xf32>
    %reduce_sum3A_163 = arith.constant dense<0.000000e+00> : vector<2048xf32>
    %reduce_sum3A_164 = vector.multi_reduction <add>, %mul3A_162, %reduce_sum3A_163 [1] : vector<2048x256xf32> to vector<2048xf32>
    %broadcast_in_dim3A_165 = vector.shape_cast %reduce_sum3A_164 : vector<2048xf32> to vector<2048x1xf32>
    %reduce_sum3A_166 = vector.shape_cast %broadcast_in_dim3A_165 : vector<2048x1xf32> to vector<1x2048x1xf32>
    %reduce_sum3A_167 = arith.constant dense<0.000000e+00> : vector<1xf32>
    %reduce_sum3A_168 = vector.multi_reduction <add>, %reduce_sum3A_166, %reduce_sum3A_167 [1, 2] : vector<1x2048x1xf32> to vector<1xf32>
    %reduce_sum3A_169 = vector.shape_cast %reduce_sum3A_168 : vector<1xf32> to vector<1x1x1xf32>
    %reduce_sum3A_170 = vector.extract %reduce_sum3A_169[0, 0, 0] : f32 from vector<1x1x1xf32>
    %add3A_171 = arith.addf %add3A_113, %reduce_sum3A_170 : f32
    %get3A_172 = arith.constant 2 : index
    %get3A_173 = arith.constant 0 : index
    %get3A_174 = arith.constant 0 : index
    %get3A_175 = vector.load %arg8[%get3A_172, %get3A_173, %get3A_174] : memref<3x64x256xf32, #tpu.memory_space<vmem>>, vector<1x64x256xf32>
    %get3A_176 = vector.shape_cast %get3A_175 : vector<1x64x256xf32> to vector<64x256xf32>
    %convert_element_type3A_177 = arith.truncf %get3A_176 : vector<64x256xf32> to vector<64x256xbf16>
    %convert_element_type3A_178 = arith.extf %convert_element_type3A_177 : vector<64x256xbf16> to vector<64x256xf32>
    %sub3A_179 = arith.subf %get3A_176, %convert_element_type3A_178 : vector<64x256xf32>
    %convert_element_type3A_180 = arith.truncf %sub3A_179 : vector<64x256xf32> to vector<64x256xbf16>
    %convert_element_type3A_181 = arith.extf %convert_element_type3A_180 : vector<64x256xbf16> to vector<64x256xf32>
    %sub3A_182 = arith.subf %sub3A_179, %convert_element_type3A_181 : vector<64x256xf32>
    %convert_element_type3A_183 = arith.truncf %sub3A_182 : vector<64x256xf32> to vector<64x256xbf16>
    %convert_element_type3A_184 = arith.truncf %sub3A_161 : vector<2048x256xf32> to vector<2048x256xbf16>
    %dot_general3A_185 = arith.constant dense<0.000000e+00> : vector<2048x64xf32>
    %dot_general3A_186 = tpu.matmul %convert_element_type3A_184, %convert_element_type3A_177, %dot_general3A_185 {dimension_numbers = #tpu.dot_dimension_numbers<[1], [1], [0], [0], [0, 0, 1, 0], [], []>, transpose_lhs_hint = false} : vector<2048x256xbf16>, vector<64x256xbf16>, vector<2048x64xf32> -> vector<2048x64xf32>
    %mul3A_187 = arith.mulf %get3A_176, %get3A_176 : vector<64x256xf32>
    %reduce_sum3A_188 = arith.constant dense<0.000000e+00> : vector<64xf32>
    %reduce_sum3A_189 = vector.multi_reduction <add>, %mul3A_187, %reduce_sum3A_188 [1] : vector<64x256xf32> to vector<64xf32>
    %broadcast_in_dim3A_190 = vector.shape_cast %reduce_sum3A_189 : vector<64xf32> to vector<1x64xf32>
    %mul3A_191 = arith.constant 2.000000e+00 : f32
    %mul3A_192 = vector.broadcast %mul3A_191 : f32 to vector<2048x64xf32>
    %mul3A_193 = arith.mulf %mul3A_192, %dot_general3A_186 : vector<2048x64xf32>
    %sub3A_194 = vector.broadcast %broadcast_in_dim3A_165 : vector<2048x1xf32> to vector<2048x64xf32>
    %sub3A_195 = arith.subf %sub3A_194, %mul3A_193 : vector<2048x64xf32>
    %add3A_196 = vector.broadcast %broadcast_in_dim3A_190 : vector<1x64xf32> to vector<2048x64xf32>
    %add3A_197 = arith.addf %sub3A_195, %add3A_196 : vector<2048x64xf32>
    %argmin3A_198 = tpu.reduce_index %add3A_197 {axis = 1 : i32, kind = #tpu.reduction_kind<arg_min>} : vector<2048x64xf32> -> vector<2048xi32>
    %broadcast_in_dim3A_199 = vector.shape_cast %argmin3A_198 : vector<2048xi32> to vector<2048x1xi32>
    %iota3A_200 = tpu.iota {dimensions = array<i32: 1>} : vector<1x64xi32>
    %eq3A_201 = vector.broadcast %broadcast_in_dim3A_199 : vector<2048x1xi32> to vector<2048x64xi32>
    %eq3A_202 = vector.broadcast %iota3A_200 : vector<1x64xi32> to vector<2048x64xi32>
    %eq3A_203 = arith.cmpi eq, %eq3A_201, %eq3A_202 : vector<2048x64xi32>
    %convert_element_type3A_204 = arith.extui %eq3A_203 : vector<2048x64xi1> to vector<2048x64xi32>
    %convert_element_type3A_205 = arith.sitofp %convert_element_type3A_204 : vector<2048x64xi32> to vector<2048x64xf32>
    %convert_element_type3A_206 = arith.truncf %convert_element_type3A_205 : vector<2048x64xf32> to vector<2048x64xbf16>
    %dot_general3A_207 = arith.constant dense<0.000000e+00> : vector<2048x256xf32>
    %dot_general3A_208 = tpu.matmul %convert_element_type3A_206, %convert_element_type3A_177, %dot_general3A_207 {dimension_numbers = #tpu.dot_dimension_numbers<[1], [0], [0], [1], [0, 0, 1, 1], [], []>, transpose_lhs_hint = false} : vector<2048x64xbf16>, vector<64x256xbf16>, vector<2048x256xf32> -> vector<2048x256xf32>
    %dot_general3A_209 = arith.constant dense<0.000000e+00> : vector<2048x256xf32>
    %dot_general3A_210 = tpu.matmul %convert_element_type3A_206, %convert_element_type3A_180, %dot_general3A_209 {dimension_numbers = #tpu.dot_dimension_numbers<[1], [0], [0], [1], [0, 0, 1, 1], [], []>, transpose_lhs_hint = false} : vector<2048x64xbf16>, vector<64x256xbf16>, vector<2048x256xf32> -> vector<2048x256xf32>
    %add3A_211 = arith.addf %dot_general3A_208, %dot_general3A_210 : vector<2048x256xf32>
    %dot_general3A_212 = arith.constant dense<0.000000e+00> : vector<2048x256xf32>
    %dot_general3A_213 = tpu.matmul %convert_element_type3A_206, %convert_element_type3A_183, %dot_general3A_212 {dimension_numbers = #tpu.dot_dimension_numbers<[1], [0], [0], [1], [0, 0, 1, 1], [], []>, transpose_lhs_hint = false} : vector<2048x64xbf16>, vector<64x256xbf16>, vector<2048x256xf32> -> vector<2048x256xf32>
    %add3A_214 = arith.addf %add3A_211, %dot_general3A_213 : vector<2048x256xf32>
    %swap3A_215 = arith.constant 0 : index
    %swap3A_216 = arith.constant 512 : index
    %swap3A_217 = vector.load %arg13[%swap3A_215, %swap3A_216] : memref<2048x768xf32, #tpu.memory_space<vmem>>, vector<2048x256xf32>
    tpu.vector_store %arg13[%swap3A_215, %swap3A_216], %add3A_214 {strides = array<i32>} : memref<2048x768xf32, #tpu.memory_space<vmem>>, vector<2048x256xf32>,
    %add3A_218 = arith.addf %add3A_160, %add3A_214 : vector<2048x256xf32>
    %sub3A_219 = arith.subf %sub3A_161, %add3A_214 : vector<2048x256xf32>
    %mul3A_220 = arith.mulf %sub3A_219, %sub3A_219 : vector<2048x256xf32>
    %reduce_sum3A_221 = arith.constant dense<0.000000e+00> : vector<2048xf32>
    %reduce_sum3A_222 = vector.multi_reduction <add>, %mul3A_220, %reduce_sum3A_221 [1] : vector<2048x256xf32> to vector<2048xf32>
    %broadcast_in_dim3A_223 = vector.shape_cast %reduce_sum3A_222 : vector<2048xf32> to vector<2048x1xf32>
    %reduce_sum3A_224 = vector.shape_cast %broadcast_in_dim3A_223 : vector<2048x1xf32> to vector<1x2048x1xf32>
    %reduce_sum3A_225 = arith.constant dense<0.000000e+00> : vector<1xf32>
    %reduce_sum3A_226 = vector.multi_reduction <add>, %reduce_sum3A_224, %reduce_sum3A_225 [1, 2] : vector<1x2048x1xf32> to vector<1xf32>
    %reduce_sum3A_227 = vector.shape_cast %reduce_sum3A_226 : vector<1xf32> to vector<1x1x1xf32>
    %reduce_sum3A_228 = vector.extract %reduce_sum3A_227[0, 0, 0] : f32 from vector<1x1x1xf32>
    %add3A_229 = arith.addf %add3A_171, %reduce_sum3A_228 : f32
    %swap3A_230 = arith.constant 0 : index
    %swap3A_231 = arith.constant 0 : index
    %swap3A_232 = vector.load %arg10[%swap3A_230, %swap3A_231] : memref<2048x256xf32, #tpu.memory_space<vmem>>, vector<2048x256xf32>
    tpu.vector_store %arg10[%swap3A_230, %swap3A_231], %add3A_218 {strides = array<i32>} : memref<2048x256xf32, #tpu.memory_space<vmem>>, vector<2048x256xf32>,
    %convert_element_type3A_233 = arith.truncf %add3A_218 : vector<2048x256xf32> to vector<2048x256xbf16>
    %get3A_234 = arith.constant 0 : index
    %get3A_235 = arith.constant 0 : index
    %get3A_236 = vector.load %arg6[%get3A_234, %get3A_235] : memref<256x79xf32, #tpu.memory_space<vmem>>, vector<256x79xf32>
    %convert_element_type3A_237 = arith.truncf %get3A_236 : vector<256x79xf32> to vector<256x79xbf16>
    %dot_general3A_238 = arith.constant dense<0.000000e+00> : vector<2048x79xf32>
    %dot_general3A_239 = tpu.matmul %convert_element_type3A_233, %convert_element_type3A_237, %dot_general3A_238 {dimension_numbers = #tpu.dot_dimension_numbers<[1], [0], [0], [1], [0, 0, 1, 1], [], []>, transpose_lhs_hint = false} : vector<2048x256xbf16>, vector<256x79xbf16>, vector<2048x79xf32> -> vector<2048x79xf32>
    %get3A_240 = arith.constant 0 : index
    %get3A_241 = arith.constant 0 : index
    %get3A_242 = vector.load %arg7[%get3A_240, %get3A_241] : memref<1x79xf32, #tpu.memory_space<vmem>>, vector<1x79xf32>
    %add3A_243 = vector.broadcast %get3A_242 : vector<1x79xf32> to vector<2048x79xf32>
    %add3A_244 = arith.addf %dot_general3A_239, %add3A_243 : vector<2048x79xf32>
    %swap3A_245 = arith.constant 0 : index
    %swap3A_246 = arith.constant 0 : index
    %swap3A_247 = vector.load %arg12[%swap3A_245, %swap3A_246] : memref<2048x79xf32, #tpu.memory_space<vmem>>, vector<2048x79xf32>
    tpu.vector_store %arg12[%swap3A_245, %swap3A_246], %add3A_244 {strides = array<i32>} : memref<2048x79xf32, #tpu.memory_space<vmem>>, vector<2048x79xf32>,
    %iota3A_248 = tpu.iota {dimensions = array<i32: 1>} : vector<2048x3xi32>
    %broadcast_in_dim3A_249 = vector.shape_cast %argmin3A : vector<2048xi32> to vector<2048x1xi32>
    %broadcast_in_dim3A_250 = vector.shape_cast %argmin3A_140 : vector<2048xi32> to vector<2048x1xi32>
    %broadcast_in_dim3A_251 = vector.shape_cast %argmin3A_198 : vector<2048xi32> to vector<2048x1xi32>
    %eq3A_252 = arith.constant 0 : i32
    %eq3A_253 = vector.broadcast %eq3A_252 : i32 to vector<2048x3xi32>
    %eq3A_254 = arith.cmpi eq, %iota3A_248, %eq3A_253 : vector<2048x3xi32>
    %eq3A_255 = arith.constant 1 : i32
    %eq3A_256 = vector.broadcast %eq3A_255 : i32 to vector<2048x3xi32>
    %eq3A_257 = arith.cmpi eq, %iota3A_248, %eq3A_256 : vector<2048x3xi32>
    %broadcast_in_dim3A_258 = vector.shape_cast %broadcast_in_dim3A_250 : vector<2048x1xi32> to vector<2048x1xi32>
    %broadcast_in_dim3A_259 = vector.broadcast %broadcast_in_dim3A_258 : vector<2048x1xi32> to vector<2048x3xi32>
    %broadcast_in_dim3A_260 = vector.shape_cast %broadcast_in_dim3A_251 : vector<2048x1xi32> to vector<2048x1xi32>
    %broadcast_in_dim3A_261 = vector.broadcast %broadcast_in_dim3A_260 : vector<2048x1xi32> to vector<2048x3xi32>
    %select_n3A = arith.select %eq3A_257, %broadcast_in_dim3A_259, %broadcast_in_dim3A_261 : vector<2048x3xi1>, vector<2048x3xi32>
    %broadcast_in_dim3A_262 = vector.shape_cast %broadcast_in_dim3A_249 : vector<2048x1xi32> to vector<2048x1xi32>
    %broadcast_in_dim3A_263 = vector.broadcast %broadcast_in_dim3A_262 : vector<2048x1xi32> to vector<2048x3xi32>
    %select_n3A_264 = arith.select %eq3A_254, %broadcast_in_dim3A_263, %select_n3A : vector<2048x3xi1>, vector<2048x3xi32>
    %swap3A_265 = arith.constant 0 : index
    %swap3A_266 = arith.constant 0 : index
    %swap3A_267 = vector.load %arg11[%swap3A_265, %swap3A_266] : memref<2048x3xi32, #tpu.memory_space<vmem>>, vector<2048x3xi32>
    tpu.vector_store %arg11[%swap3A_265, %swap3A_266], %select_n3A_264 {strides = array<i32>} : memref<2048x3xi32, #tpu.memory_space<vmem>>, vector<2048x3xi32>,
    %eq3A_268 = arith.constant 0 : i32
    %eq3A_269 = arith.cmpi eq, %arg0, %eq3A_268 : i32
    %convert_element_type3A_270 = arith.extui %eq3A_269 : i1 to i32
    %cond3A = arith.constant 0 : i32
    %cond3A_271 = arith.cmpi ne, %convert_element_type3A_270, %cond3A : i32
    scf.if %cond3A_271 {
      %broadcast_in_dim3A_279 = arith.constant 0.000000e+00 : f32
      %broadcast_in_dim3A_280 = vector.broadcast %broadcast_in_dim3A_279 : f32 to vector<1x1xf32>
      %swap3A_281 = arith.constant 0 : index
      %swap3A_282 = arith.constant 0 : index
      %swap3A_283 = vector.load %arg14[%swap3A_281, %swap3A_282] : memref<1x1xf32, #tpu.memory_space<vmem>>, vector<1x1xf32>
      tpu.vector_store %arg14[%swap3A_281, %swap3A_282], %broadcast_in_dim3A_280 {strides = array<i32>} : memref<1x1xf32, #tpu.memory_space<vmem>>, vector<1x1xf32>,
    } else {
    }
    %get3A_272 = arith.constant 0 : index
    %get3A_273 = arith.constant 0 : index
    %get3A_274 = vector.load %arg14[%get3A_272, %get3A_273] : memref<1x1xf32, #tpu.memory_space<vmem>>, vector<1x1xf32>
    %reshape3A = vector.broadcast %add3A_229 : f32 to vector<1x1xf32>
    %add3A_275 = arith.addf %get3A_274, %reshape3A : vector<1x1xf32>
    %swap3A_276 = arith.constant 0 : index
    %swap3A_277 = arith.constant 0 : index
    %swap3A_278 = vector.load %arg14[%swap3A_276, %swap3A_277] : memref<1x1xf32, #tpu.memory_space<vmem>>, vector<1x1xf32>
    tpu.vector_store %arg14[%swap3A_276, %swap3A_277], %add3A_275 {strides = array<i32>} : memref<1x1xf32, #tpu.memory_space<vmem>>, vector<1x1xf32>,
    return
  }
  func.func @transform_0(%arg0: i32) -> (i32, i32) {
    %c0_i32 = arith.constant 0 : i32
    %c0_i32_0 = arith.constant 0 : i32
    return %arg0, %c0_i32 : i32, i32
  }
  func.func @transform_1(%arg0: i32) -> (i32, i32) {
    %c0_i32 = arith.constant 0 : i32
    %c0_i32_0 = arith.constant 0 : i32
    %c0_i32_1 = arith.constant 0 : i32
    return %c0_i32, %c0_i32_0 : i32, i32
  }
  func.func @transform_2(%arg0: i32) -> (i32, i32) {
    %c0_i32 = arith.constant 0 : i32
    %c0_i32_0 = arith.constant 0 : i32
    %c0_i32_1 = arith.constant 0 : i32
    return %c0_i32, %c0_i32_0 : i32, i32
  }
  func.func @transform_3(%arg0: i32) -> (i32, i32) {
    %c0_i32 = arith.constant 0 : i32
    %c0_i32_0 = arith.constant 0 : i32
    %c0_i32_1 = arith.constant 0 : i32
    return %c0_i32, %c0_i32_0 : i32, i32
  }
  func.func @transform_4(%arg0: i32) -> (i32, i32) {
    %c0_i32 = arith.constant 0 : i32
    %c0_i32_0 = arith.constant 0 : i32
    %c0_i32_1 = arith.constant 0 : i32
    return %c0_i32, %c0_i32_0 : i32, i32
  }
  func.func @transform_5(%arg0: i32) -> (i32, i32) {
    %c0_i32 = arith.constant 0 : i32
    %c0_i32_0 = arith.constant 0 : i32
    %c0_i32_1 = arith.constant 0 : i32
    return %c0_i32, %c0_i32_0 : i32, i32
  }
  func.func @transform_6(%arg0: i32) -> (i32, i32) {
    %c0_i32 = arith.constant 0 : i32
    %c0_i32_0 = arith.constant 0 : i32
    %c0_i32_1 = arith.constant 0 : i32
    return %c0_i32, %c0_i32_0 : i32, i32
  }
  func.func @transform_7(%arg0: i32) -> (i32, i32, i32) {
    %c0_i32 = arith.constant 0 : i32
    %c0_i32_0 = arith.constant 0 : i32
    %c0_i32_1 = arith.constant 0 : i32
    %c0_i32_2 = arith.constant 0 : i32
    return %c0_i32, %c0_i32_0, %c0_i32_1 : i32, i32, i32
  }
  func.func @transform_8(%arg0: i32) -> (i32, i32) {
    %c0_i32 = arith.constant 0 : i32
    %c0_i32_0 = arith.constant 0 : i32
    return %arg0, %c0_i32 : i32, i32
  }
  func.func @transform_9(%arg0: i32) -> (i32, i32) {
    %c0_i32 = arith.constant 0 : i32
    %c0_i32_0 = arith.constant 0 : i32
    return %arg0, %c0_i32 : i32, i32
  }
  func.func @transform_10(%arg0: i32) -> (i32, i32) {
    %c0_i32 = arith.constant 0 : i32
    %c0_i32_0 = arith.constant 0 : i32
    return %arg0, %c0_i32 : i32, i32
  }
  func.func @transform_11(%arg0: i32) -> (i32, i32) {
    %c0_i32 = arith.constant 0 : i32
    %c0_i32_0 = arith.constant 0 : i32
    return %arg0, %c0_i32 : i32, i32
  }
  func.func @transform_12(%arg0: i32) -> (i32, i32) {
    %c0_i32 = arith.constant 0 : i32
    %c0_i32_0 = arith.constant 0 : i32
    return %arg0, %c0_i32 : i32, i32
  }
  func.func @transform_13(%arg0: i32) -> (i32, i32) {
    %c0_i32 = arith.constant 0 : i32
    %c0_i32_0 = arith.constant 0 : i32
    %c0_i32_1 = arith.constant 0 : i32
    return %c0_i32, %c0_i32_0 : i32, i32
  }
}

</mosaic_0001>

<sc_bundles>
// kernel: sparse-core-data-format-call.cloned.1.call-start
scs
called_computation_lowered:
.L_overlay_start_0:
0x0: {  	s2 =	sld [smem:$0x3FD9]  }
0x1: {  	s3 =	sld [smem:$0x3FFE];
	_ =	sdelay $0x1  }
0x2: {  	s1 =	srdreg.scid  }
0x3: {  	s0 =	sand.u32 $0x1, s1  }
0x4: {  	s15 =	sshll.u32 s0, $0xA;
	s2 =	sadd.s32 s3, s2  }
0x5: {  	s2 =	sadd.s32 s2, s15  }
0x6: {  	[smem:$0x3FC0] =	sst s2  }
0x7: {  	_ = 	snop  }
0x8: {  	s2 =	sld [smem:$0x3FD0];
	_ =	sdelay $0x2  }
0x9: {  	s16 =	simm.s32 $0xA;
	s4 =	simm.s32 $0x10  }
0xa: {  	[smem:s4], [sflag:s16] =	dma.local [hbm:s2], $0x1  }
0xb: {  	_ =	swait.eq [sflag:s16], $0x1  }
0xc: {  	[sflag:s16] =	ssyncset.done $0x0  }
0xd: {  	[sflag:s16] =	ssyncadd.s32 $0xFFFFFFFF  }
0xe: {  	s17 =	sld [smem:$0x16];
	(tm) =	ssettm $0x1  }
0xf: {  	s18 =	sld [smem:$0x3FFB];
	_ =	sdelay $0x3  }
0x10: {  	_ =	strace s18  }
0x11: {  	s3 =	sld [smem:$0x3FFC];
	_ =	sdelay $0x3  }
0x12: {  	_ =	strace s3  }
0x13: {  	s3 =	sld [smem:$0x3FFD];
	_ =	sdelay $0x3  }
0x14: {  	_ =	strace s3  }
0x15: {  	_ =	strace $0x8FFFFFFF  }
0x16: {  	s19 =	sld [smem:$0x3FDB];
	_ =	sdelay $0x1  }
0x17: {  	s20 =	simm.s32 $_scs_section_size  }
0x18: {  	s5 =	simm.s32 $_size__tile_overlayer_lowered;
	s6 =	simm.s32 $_tile_overlayer_lowered  }
0x19: {  	s23 =	simm.s32 $0x1BFF;
	s22 =	sshll.u32 s6, $0x1;
	s3 =	sadd.s32 s20, s19  }
0x1a: {  	s7 =	simm.s32 $0x0;
	s21 =	sshll.u32 s5, $0x1;
	s5 =	sadd.s32 s22, s3  }
0x1b: {  	[timem:s7], [sflag:s23] =	dma.local [hbm:s5], s21  }
0x1c: {  	_ =	swait.ge [sflag:s23], s21  }
0x1d: {  	s4 =	ssub.s32 $0x0, s21;
	[sflag:s23] =	ssyncset.done $0x0  }
0x1e: {  	[sflag:s23] =	ssyncadd.s32 s4;
	_ =	sdelay $0x1  }
0x1f: {  	s24 =	simm.s32 $0x1B8B  }
0x20: {  	_ =	swait.ge [sflag:s24], $0x1  }
0x21: {  	[sflag:s24] =	ssyncset.done $0x0  }
0x22: {  	s26 =	simm.s32 $0x1B8E;
	s25 =	sld [smem:$0x3FFE];
	[sflag:s24] =	ssyncadd.s32 $0xFFFFFFFF  }
0x23: {  	s27 =	simm.s32 $execute0_lowered;
	[smem:$0x3FD2] =	sst s26  }
0x24: {  	s5 =	sshll.u32 s27, $0x1;
	_ =	strace $0x80000046;
	[dreg:$0x1] =	wrdreg $0xFFFFFFFF  }
0x25: {  	s28 =	simm.s32 $_size_execute0_lowered;
	s3 =	sadd.s32 s3, s5;
	[dreg:$0x0] =	wrdreg $0x0  }
0x26: {  	s5 =	sshll.u32 s28, $0x1;
	[dreg:$0x2] =	wrdreg s3  }
0x27: {  	[dreg:$0x3] =	wrdreg s5  }
0x28: {  	[dreg:$0x4] =	wrdreg $0xC0  }
0x29: {  	_ =	task [dreg:s7], $0x5FFFF  }
0x2a: {  	[dreg:$0x1] =	wrdreg $0xFFFFFFFF  }
0x2b: {  	[dreg:$0x0] =	wrdreg $0x60  }
0x2c: {  	[dreg:$0x2] =	wrdreg s25  }
0x2d: {  	[dreg:$0x3] =	wrdreg s17  }
0x2e: {  	[dreg:$0x4] =	wrdreg $0x9  }
0x2f: {  	_ =	task.clear_ibuf [dreg:s7], $0x5FFFF;
	_ =	strace $0x90000046  }
0x30: {  	s29 =	simm.s32 $0x9;
	_ =	strace $0x80000048  }
0x31: {  	_ =	swait.ge [sflag:s29], $0x1  }
0x32: {  	[sflag:s29] =	ssyncadd.s32 $0xFFFFFFFF  }
0x33: {  	_ =	strace $0x90000048  }
0x34: {  	_ =	sfence  }
0x35: {  	s30 =	sld [smem:$0x0];
	_ =	sdelay $0x2  }
0x36: {  	s31 =	sshll.u32 s1, $0xD;
	s1 =	sshrl.u32 s1, $0x2  }
0x37: {  	s3 =	sand.u32 $0x4000, s31;
	s1 =	sadd.s32 s1, s30  }
0x38: {  	s0 =	sor.u32 s3, s0;
	s1 =	sshll.u32 s1, $0x11  }
0x39: {  	s0 =	sor.u32 s1, s0  }
0x3a: {  	s0 =	sadd.s32 $0x8F2B, s0  }
0x3b: {  	[sflag:s0] =	ssyncadd.remote.s32 $0x1  }
0x3c: {  	_ =	sfence.sel $0xFFFF  }
0x3d: {  	[dreg:$0x0] =	wrdreg $0xFFFFFFFF;
	(pc) =	sbr.abs _section_cstart, $3  }
0x3e: {  	[dreg:$0x1] =	wrdreg $0xFFFFFFFF  }
0x3f: {  	_ =	task.clear_ibuf [dreg:s7], $0x2FFFF;
	_ =	strace $0x9FFFFFFF  }
0x40: {  	(tm) =	ssettm $0x7FFFFFFF  }
0x41: {  	_ =	shalt  }
tec
execute0_lowered:
.L_overlay_start_1:
0x0: {  	(tag) =	ssettag $0x1  }
0x1: {  	s0 =	stileid.u32;
	s1 =	srdreg.scid  }
0x2: {  	s2 =	sshll.u32 s0, $0x6;
	s1 =	sshll.u32 s1, $0xA  }
0x3: {  	s3 =	sshll.u32 s0, $0x7;
	s2 =	sor.u32 s2, s1  }
0x4: {  	s7 =	rddreg [dreg:$0x0];
	s1 =	sand.u32 $0x80, s3;
	s2 =	sand.u32 $0x780, s2  }
0x5: {  	s8 =	simm.s32 $0x2;
	s3 =	ssub.s32 $0x100, s1;
	s4 =	ssub.s32 $0x4000, s2  }
0x6: {  	s16 =	simm.s32 $0x0;
	s5 =	sshrl.u32 s3, $0x8;
	s6 =	sand.u32 $0x780, s4  }
0x7: {  	s3 =	sshrl.u32 s3, $0x7;
	p0 =	sne.s32 s6, $0x0;
	s6 =	simm.s32 $0x1  }
0x8: {  	s3 =	sand.u32 $0x1, s3;
	s4 =	sshrl.u32 s4, $0xB;
	s6 =	simm.s32 @!p0 $0x0  }
0x9: {  	s9 =	simm.s32 $0x800;
	s3 =	sadd.s32 s5, s3;
	s31 =	sadd.s32 s6, s4  }
0xa: {  	s14 =	simm.s32 $0x0;
	s15 =	simm.s32 $0x0;
	s6 =	smul.u32 s31, s3  }
.Ltmp0:
0xb: {  	s12 =	simm.s32 $0x0;
	s13 =	simm.s32 $0x0;
	(pc) =	sbr.rel .LBB1_1-.Ltmp0, $4  }
0xc: {  	s7 =	sadd.s32 $0x1A00, s7;
	s5 =	simm.s32 $0x1;
	s4 =	rddreg [dreg:$0x1]  }
0xd: {  	s3 =	rddreg [dreg:$0x2];
	_ =	strace $0x80000047;
	s6 =	smul.u32 $0x3, s6  }
0xe: {  	s11 =	smov.u32 s1;
	s10 =	smov.u32 s2;
	[sflag:s5] =	ssyncpa.u1 $0x0  }
0xf: {  	p0 =	por $0x0, $0x0;
	[sflag:s8] =	ssyncpa.u1 $0x0;
	s8 =	sadd.s32 $0x1, s6  }
.LBB1_4:
0x10: {  	v5 =	vld [tilespmem:s20+$0xFFFFFFD0]  }
0x11: {  	[tilespmem:s18+$0x2040 ss:$0x81] =	vst.msk $0xffff, v1;
	v58 =	vld [tilespmem:s20+$0xFFFFFFE0]  }
0x12: {  	[tilespmem:s18+$0x2850 ss:$0x81] =	vst.msk $0xffff, v2;
	v59 =	vld [tilespmem:s20+$0xFFFFFFF0]  }
0x13: {  	s21 =	sshra.s32 s21, $0x2;
	[tilespmem:s18+$0x3060 ss:$0x81] =	vst.msk $0xffff, v3;
	v60 =	vld [tilespmem:s20+$0x0]  }
0x14: {  	v61 =	vld [tilespmem:s20+$0x10];
	[tilespmem:s18+$0x0 ss:$0x81] =	vst.msk $0xffff, v0;
	s19 =	sadd.s32 s21, s19  }
0x15: {  	s25 =	sshll.u32 s16, $0x8;
	v62 =	vld [tilespmem:s20+$0x20];
	[tilespmem:s19+$0x3870 ss:$0x81] =	vst.msk $0xffff, v4  }
0x16: {  	s22 =	sshll.u32 s14, $0x3;
	v63 =	vld [tilespmem:s20+$0xFFFFFFC0];
	s30 =	sand.u32 $0x78, s14;
	s15 =	sshll.u32 s15, $0x13;
	[tilespmem:s19+$0x810 ss:$0x81] =	vst.msk $0xffff, v5  }
0x17: {  	s28 =	sshll.u32 s16, $0x7;
	s26 =	sand.u32 $0x3FF800, s25;
	s27 =	sand.u32 $0x3FFC00, s22;
	[tilespmem:s19+$0x1020 ss:$0x81] =	vst.msk $0xffff, v58  }
0x18: {  	s29 =	sand.u32 $0x300, s28;
	s16 =	sand.u32 $0x80, s28;
	s18 =	sadd.s32 s27, s26;
	[tilespmem:s19+$0x1830 ss:$0x81] =	vst.msk $0xffff, v59  }
0x19: {  	s31 =	sand.u32 $0x7, s14;
	s16 =	sor.u32 s30, s16;
	s18 =	sor.u32 s29, s18;
	[tilespmem:s19+$0x2040 ss:$0x81] =	vst.msk $0xffff, v60  }
0x1a: {  	s15 =	sadd.s32 s4, s15;
	s16 =	sshrl.u32 s16, $0x3;
	s18 =	sshrl.u32 s18, $0x3;
	[tilespmem:s19+$0x2850 ss:$0x81] =	vst.msk $0xffff, v61  }
0x1b: {  	s14 =	sshll.u32 s31, $0x12;
	s15 =	sadd.s32 s16, s15;
	[tilespmem:s19+$0x3060 ss:$0x81] =	vst.msk $0xffff, v62;
	s18 =	sand.u32 $0x7FFE0, s18  }
0x1c: {  	s14 =	sor.u32 $0x400, s14;
	[tilespmem:s19+$0x0 ss:$0x81] =	vst.msk $0xffff, v63;
	s15 =	sadd.s32 s18, s15  }
0x1d: {  	[hbm4b:s15+s14] =	stream.strided.scatter [tilespmem:s17], [sflag:$0x2], $0x4000, s9, s14, $0x20;
	[tilespmem:$0x10100] =	vst v63  }
.LBB1_5:
0x1e: {  	s17 =	sadd.s32 $0x800, s10  }
0x1f: {  	s14 =	sadd.s32 $0x100, s11;
	s18 =	smov.u32 s11;
	p2 =	sgt.s32 s17, $0x3FFF  }
0x20: {  	s18 =	smov.u32 @p2 s14  }
0x21: {  	s14 =	simm.s32 $0x1;
	p3 =	sgt.s32 s18, $0xFF  }
0x22: {  	s14 =	simm.s32 @!p3 $0x0  }
0x23: {  	s20 =	sadd.s32 s14, s12  }
0x24: {  	s17 =	smov.u32 @p2 s2;
	p2 =	sgt.s32 s20, $0x2  }
0x25: {  	p1 =	slt.u32 s13, $0x2;
	s20 =	simm.s32 @p2 $0x0;
	p2 =	sne.s32 s13, s8  }
.Ltmp1:
0x26: {  	s19 =	simm.s32 @!p1 $0x2;
	(pc) =	sbr.rel @!p2 .LBB1_6-.Ltmp1, $4  }
0x27: {  	s16 =	smov.u32 s10;
	s15 =	smov.u32 s12;
	_ =	swait.ge @!p1 [sflag:s19], $0x4000  }
0x28: {  	p0 =	por !p0, !p0;
	[sflag:s19] =	ssyncset.done @!p1 $0x0;
	s10 =	smov.u32 s17  }
0x29: {  	s18 =	smov.u32 @p3 s1;
	[sflag:s19] =	ssyncadd.s32 @!p1 $0xFFFFC000;
	s14 =	smov.u32 s11  }
0x2a: {  	s11 =	smov.u32 s18;
	s13 =	sadd.s32 $0x1, s13;
	s12 =	smov.u32 s20  }
.LBB1_1:
0x2b: {  	p1 =	sge.u32 s13, s6;
	s31 =	sadd.s32 $0xFFFFFFFF, s13  }
0x2c: {  	s17 =	sxor.u32 @!p1 $0xFFFFFFFF, s13;
	s18 =	sand.u32 @!p1 $0x78, s10;
	s19 =	sshll.u32 @!p1 s11, $0xE  }
0x2d: {  	s20 =	sshll.u32 @!p1 s11, $0x7;
	s21 =	sshll.u32 @!p1 s10, $0x3;
	s17 =	sshll.u32 @!p1 s17, $0xE  }
0x2e: {  	s19 =	sand.u32 @!p1 $0x3E0000, s19;
	s20 =	sand.u32 @!p1 $0x380, s20;
	s17 =	sand.u32 @!p1 $0x4000, s17  }
0x2f: {  	s19 =	sadd.s32 @!p1 s19, s21;
	s21 =	sand.u32 @!p1 $0x3C00, s21;
	s18 =	sor.u32 @!p1 s20, s18  }
0x30: {  	s20 =	sshll.u32 @!p1 s12, $0x13;
	s18 =	sor.u32 @!p1 s21, s18;
	s19 =	sshrl.u32 @!p1 s19, $0x3  }
0x31: {  	s20 =	sadd.s32 @!p1 s7, s20;
	s21 =	sand.u32 @!p1 $0x7, s10;
	s19 =	sand.u32 @!p1 $0x7F800, s19  }
0x32: {  	s18 =	sshrl.u32 @!p1 s18, $0x3;
	s19 =	sadd.s32 @!p1 s19, s20;
	s20 =	sshll.u32 @!p1 s21, $0x12  }
0x33: {  	s18 =	sadd.s32 @!p1 s18, s19;
	s19 =	sor.u32 @!p1 $0x400, s20;
	s20 =	simm.s32 @!p1 $0x20000  }
0x34: {  	[tilespmem:s17], [sflag:$0x1] =	stream.strided.gather @!p1 [hbm4b:s18+s19], $0x4000, s20, s19, $0x38;
	[tilespmem:$0x10100] =	vst v63  }
0x35: {  	p1 =	sge.u32 s31, s6  }
.Ltmp2:
0x36: {  	_ = 	snop;
	(pc) =	sbr.rel @p1 .LBB1_5-.Ltmp2, $1  }
0x37: {  	_ =	sdelay $0x3  }
0x38: {  	s17 =	simm.s32 $0x1  }
0x39: {  	_ =	swait.ge [sflag:s5], $0x4000;
	s17 =	simm.s32 @!p0 $0x0  }
0x3a: {  	[sflag:s5] =	ssyncset.done $0x0;
	s18 =	sshll.u32 s17, $0xE  }
0x3b: {  	[sflag:s5] =	ssyncadd.s32 $0xFFFFC000;
	s20 =	sor.u32 $0x40, s18  }
0x3c: {  	s17 =	smul.u32 $0x10200, s17;
	v0 =	vld [tilespmem:s20+$0x30]  }
0x3d: {  	v3 =	vld [tilespmem:s20+$0xFFFFFFD0]  }
0x3e: {  	s17 =	sshrl.u32 s17, $0x2;
	v4 =	vld [tilespmem:s20+$0xFFFFFFE0]  }
0x3f: {  	v5 =	vld [tilespmem:s20+$0xFFFFFFF0];
	s19 =	sor.u32 $0x8000, s17  }
0x40: {  	s31 =	sand.u32 $0x1, s13;
	v1 =	vld [tilespmem:s20+$0x0];
	s18 =	sadd.s32 $0x0, s19  }
0x41: {  	v2 =	vld [tilespmem:s20+$0x10];
	s17 =	smul.u32 $0x10200, s31;
	[tilespmem:s18+$0x3870 ss:$0x81] =	vst.msk $0xffff, v0  }
0x42: {  	[tilespmem:s18+$0x810 ss:$0x81] =	vst.msk $0xffff, v3;
	v3 =	vld [tilespmem:s20+$0x20]  }
0x43: {  	s17 =	sshrl.u32 s17, $0x2;
	v0 =	vld [tilespmem:s20+$0xFFFFFFC0];
	[tilespmem:s18+$0x1020 ss:$0x81] =	vst.msk $0xffff, v4;
	s20 =	sadd.s32 $0x80, s20  }
0x44: {  	s21 =	simm.s32 $0x4;
	s22 =	simm.s32 $0x8;
	s17 =	sor.u32 $0x8000, s17;
	[tilespmem:s18+$0x1830 ss:$0x81] =	vst.msk $0xffff, v5;
	v4 =	vld [tilespmem:s20+$0x30]  }
.LBB1_3:
0x45: {  	p1 =	sne.s32 s22, $0x1FC;
	v5 =	vld [tilespmem:s20+$0xFFFFFFD0];
	[tilespmem:s18+$0x2040 ss:$0x81] =	vst.msk $0xffff, v1  }
0x46: {  	v6 =	vld [tilespmem:s20+$0xFFFFFFE0];
	[tilespmem:s18+$0x2850 ss:$0x81] =	vst.msk $0xffff, v2  }
0x47: {  	s23 =	sshra.s32 s21, $0x2;
	s21 =	smov.u32 s22;
	v7 =	vld [tilespmem:s20+$0xFFFFFFF0];
	[tilespmem:s18+$0x3060 ss:$0x81] =	vst.msk $0xffff, v3  }
.Ltmp3:
0x48: {  	v1 =	vld [tilespmem:s20+$0x0];
	[tilespmem:s18+$0x0 ss:$0x81] =	vst.msk $0xffff, v0;
	s18 =	sadd.s32 s23, s19;
	(pc) =	sbr.rel @p1 .LBB1_3-.Ltmp3, $4  }
0x49: {  	v2 =	vld [tilespmem:s20+$0x10];
	[tilespmem:s18+$0x3870 ss:$0x81] =	vst.msk $0xffff, v4  }
0x4a: {  	[tilespmem:s18+$0x810 ss:$0x81] =	vst.msk $0xffff, v5;
	v3 =	vld [tilespmem:s20+$0x20]  }
0x4b: {  	v0 =	vld [tilespmem:s20+$0xFFFFFFC0];
	[tilespmem:s18+$0x1020 ss:$0x81] =	vst.msk $0xffff, v6;
	s20 =	sadd.s32 $0x80, s20  }
0x4c: {  	s22 =	sadd.s32 $0x4, s22;
	v4 =	vld [tilespmem:s20+$0x30];
	[tilespmem:s18+$0x1830 ss:$0x81] =	vst.msk $0xffff, v7  }
.Ltmp4:
0x4d: {  	_ = 	snop;
	(pc) =	sbr.rel .LBB1_4-.Ltmp4, $1  }
0x4e: {  	_ =	sdelay $0x3  }
.LBB1_6:
0x4f: {  	_ =	sfence.sel $0x180000  }
0x50: {  	s1 =	simm.s32 $0x1;
	[bflag:$0x0] =	sbarrier.arrive $0xFFFF  }
0x51: {  	s31 =	simm.s32 $0x2;
	[sflag:s1] =	ssyncpa.u1 $0x1  }
0x52: {  	[sflag:s31] =	ssyncpa.u1 $0x1  }
0x53: {  	p0 =	sne.s32 s0, $0x0;
	_ =	strace $0x90000047  }
0x54: {  	s0 =	sadd.s32 @!p0 $0x100000, s3;
	[bflag:$0x2] =	sbarrier.arrive $0xFFFF  }
0x55: {  	[sflag:s0] =	ssyncadd.tile.s32 @!p0 $0x1;
	_ =	shalt  }
.Lfunc_end1:
_tile_overlayer_lowered:
.L_overlay_start_2:
0x56: {  	(tag) =	ssettag $0x2  }
0x57: {  	s0 =	rddreg [dreg:$0x0];
	s2 =	stileid.u32  }
0x58: {  	s1 =	rddreg [dreg:$0x1];
	p0 =	sne.s32 s2, $0x0  }
0x59: {  	s3 =	rddreg [dreg:$0x2];
	[bflag:$0x3] =	sbarrier.arrive $0xFFFF;
	s2 =	simm.s32 @!p0 $0x1C01  }
0x5a: {  	[timem:s3], [sflag:s2] =	dma.local @!p0 [hbm:s0], s1  }
0x5b: {  	s0 =	simm.s32 @!p0 $0x1  }
0x5c: {  	_ =	swait.ge @!p0 [sflag:s0], s1  }
0x5d: {  	s1 =	ssub.s32 @!p0 $0x0, s1;
	[sflag:s0] =	ssyncset.done @!p0 $0x0  }
0x5e: {  	[sflag:s0] =	ssyncadd.s32 @!p0 s1  }
0x5f: {  	[bflag:$0x3] =	sbarrier.arrive $0xFFFF  }
0x60: {  	_ =	shalt  }

</sc_bundles>
